<compile_context>
chip_gen: v7x
topology: tpu7x:2x2x1
jax: 0.10.2.dev20260603
libtpu: 0.0.44.dev20260713+nightly
codegen_flags: <defaults>
</compile_context>

<pallas_src>
import dataclasses
import functools
import jax
import jax.numpy as jnp
from jax import lax
from jax.experimental import pallas as pl
from jax.experimental.pallas import tpu as pltpu
from jax.experimental.pallas import tpu_sc as plsc

N = 10000
E = 320000
D = 128
G = 8

NC = 2
NS = 16
NW = NC * NS
EPW = E // NW
CH = 80
NFULL = EPW // CH
NP = 10240
RPT = NP // NS
ZR = 128

_mesh = plsc.VectorSubcoreMesh(
    core_axis_name="c", subcore_axis_name="s", num_cores=NC, num_subcores=NS)

_no_layout_cp = pltpu.CompilerParams()
if "needs_layout_passes" in pltpu.CompilerParams.__dataclass_fields__:
    _no_layout_cp = dataclasses.replace(_no_layout_cp, needs_layout_passes=False)



def _deg_body(dst_hbm, out_hbm, idx_all, hist_v):
    cid = lax.axis_index("c")
    sid = lax.axis_index("s")
    wid = sid * NC + cid

    @pl.loop(0, NP // 16)
    def _(i):
        hist_v[pl.ds(i * 16, 16)] = jnp.zeros((16,), jnp.float32)

    pltpu.sync_copy(dst_hbm.at[pl.ds(wid * EPW, EPW)], idx_all)
    ones = jnp.ones((16,), jnp.float32)

    @pl.loop(0, EPW // 16)
    def _(i):
        v = idx_all[pl.ds(i * 16, 16)]
        plsc.addupdate_scatter(hist_v, [v], ones)

    pltpu.sync_copy(hist_v, out_hbm.at[wid])


@jax.jit
def _deg_sc(dst):
    kern = pl.kernel(
        _deg_body,
        out_type=jax.ShapeDtypeStruct((NW, NP), jnp.float32),
        mesh=_mesh,
        scratch_types=[
            pltpu.VMEM((EPW,), jnp.int32),
            pltpu.VMEM((NP,), jnp.float32),
        ],
        compiler_params=_no_layout_cp,
    )
    return kern(dst)


def _degsum_body(deg_ref, row_ref):
    row_ref[...] = jnp.sum(deg_ref[...], axis=0, keepdims=True)


@jax.jit
def _degsum_tc(deg_nw):
    return pl.pallas_call(
        _degsum_body,
        out_shape=jax.ShapeDtypeStruct((1, NP), jnp.float32),
    )(deg_nw)


def _prop_body(src_hbm, dst_hbm, tp_hbm, zeros_hbm, out_hbm,
               si0, si1, si2, di0, di1, di2, rows0, rows1, rows2,
               zero_v, acc_sh,
               ss0, ss1, ss2, ds0, ds1, ds2, gs0, gs1, gs2):
    cid = lax.axis_index("c")
    sid = lax.axis_index("s")
    wid = sid * NC + cid
    si = (si0, si1, si2)
    di = (di0, di1, di2)
    rows = (rows0, rows1, rows2)
    ssem = (ss0, ss1, ss2)
    dsem = (ds0, ds1, ds2)
    gsem = (gs0, gs1, gs2)

    def start_idx(ch, b):
        base = wid * EPW + ch * CH
        pltpu.async_copy(src_hbm.at[pl.ds(base, CH)], si[b], ssem[b])
        pltpu.async_copy(dst_hbm.at[pl.ds(base, CH)], di[b], dsem[b])

    def wait_idx(b):
        pltpu.make_async_copy(src_hbm.at[pl.ds(0, CH)], si[b], ssem[b]).wait()
        pltpu.make_async_copy(dst_hbm.at[pl.ds(0, CH)], di[b], dsem[b]).wait()

    def start_gather(b):
        pltpu.async_copy(tp_hbm.at[si[b]], rows[b], gsem[b])

    def wait_gather(b):
        pltpu.make_async_copy(tp_hbm.at[si[b]], rows[b], gsem[b]).wait()

    pltpu.sync_copy(zeros_hbm, zero_v)

    @pl.loop(0, 5)
    def _(j):
        pltpu.sync_copy(zero_v, acc_sh.at[pl.ds((sid * 5 + j) * ZR, ZR)])
    plsc.subcore_barrier()

    start_idx(0, 0)
    start_idx(1, 1)
    start_idx(2, 2)
    wait_idx(0)
    start_gather(0)
    wait_idx(1)
    start_gather(1)

    @pl.loop(0, NFULL - 2, step=3)
    def _(g):
        wait_idx(2)
        start_gather(2)
        wait_gather(0)
        pltpu.sync_copy(rows[0], acc_sh.at[di[0]], add=True)
        start_idx(g + 3, 0)

        wait_idx(0)
        start_gather(0)
        wait_gather(1)
        pltpu.sync_copy(rows[1], acc_sh.at[di[1]], add=True)
        start_idx(g + 4, 1)

        wait_idx(1)
        start_gather(1)
        wait_gather(2)
        pltpu.sync_copy(rows[2], acc_sh.at[di[2]], add=True)

        @pl.when(g < NFULL - 5)
        def _():
            start_idx(g + 5, 2)

    wait_gather(0)
    pltpu.sync_copy(rows[0], acc_sh.at[di[0]], add=True)
    wait_gather(1)
    pltpu.sync_copy(rows[1], acc_sh.at[di[1]], add=True)
    plsc.subcore_barrier()

    pltpu.sync_copy(acc_sh.at[pl.ds(sid * RPT, RPT)],
                    out_hbm.at[cid, pl.ds(sid * RPT, RPT)])


@jax.jit
def _prop_sc(src, dst, tp, zeros128):
    kern = pl.kernel(
        _prop_body,
        out_type=jax.ShapeDtypeStruct((NC, NP, D), jnp.float32),
        mesh=_mesh,
        scratch_types=[
            pltpu.VMEM((CH,), jnp.int32),
            pltpu.VMEM((CH,), jnp.int32),
            pltpu.VMEM((CH,), jnp.int32),
            pltpu.VMEM((CH,), jnp.int32),
            pltpu.VMEM((CH,), jnp.int32),
            pltpu.VMEM((CH,), jnp.int32),
            pltpu.VMEM((CH, D), jnp.float32),
            pltpu.VMEM((CH, D), jnp.float32),
            pltpu.VMEM((CH, D), jnp.float32),
            pltpu.VMEM((ZR, D), jnp.float32),
            pltpu.VMEM_SHARED((NP, D), jnp.float32),
            pltpu.SemaphoreType.DMA,
            pltpu.SemaphoreType.DMA,
            pltpu.SemaphoreType.DMA,
            pltpu.SemaphoreType.DMA,
            pltpu.SemaphoreType.DMA,
            pltpu.SemaphoreType.DMA,
            pltpu.SemaphoreType.DMA,
            pltpu.SemaphoreType.DMA,
            pltpu.SemaphoreType.DMA,
        ],
    )
    return kern(src, dst, tp, zeros128)



def _enc_body(x_ref, we_ref, be_ref, w1_ref, t1_ref):
    a = jnp.dot(x_ref[...], we_ref[...],
                preferred_element_type=jnp.float32) + be_ref[...]
    h = jnp.where(a > 0, a, jnp.exp(jnp.minimum(a, 0.0)) - 1.0)
    t1_ref[...] = jnp.dot(h, w1_ref[...], preferred_element_type=jnp.float32)


@jax.jit
def _enc_tc(x, W_enc, b_enc, W1):
    return pl.pallas_call(
        _enc_body,
        out_shape=jax.ShapeDtypeStruct((N, D), jnp.float32),
    )(x, W_enc, b_enc, W1)


def _dinv_body(degcol_ref, t1_ref, dinv_ref, tp1_ref):
    dinv = lax.rsqrt(degcol_ref[...] + 1.0)
    dinv_ref[...] = dinv
    tp1_ref[...] = dinv * t1_ref[...]


@jax.jit
def _dinv_tc(degcol, t1):
    return pl.pallas_call(
        _dinv_body,
        out_shape=(jax.ShapeDtypeStruct((N, 1), jnp.float32),
                   jax.ShapeDtypeStruct((N, D), jnp.float32)),
    )(degcol, t1)


def _comb_body(s_ref, t_ref, b_ref, dinv_ref, wn_ref, tn_ref, tpn_ref):
    dinv = dinv_ref[...]
    u = (dinv * (s_ref[0, :N] + s_ref[1, :N])
         + dinv * dinv * t_ref[...] + b_ref[...])
    u = jnp.maximum(u, 0.0)
    tn = jnp.dot(u, wn_ref[...], preferred_element_type=jnp.float32)
    tn_ref[...] = tn
    tpn_ref[...] = dinv * tn


@jax.jit
def _comb_tc(s, t, b, dinv, Wn):
    return pl.pallas_call(
        _comb_body,
        out_shape=(jax.ShapeDtypeStruct((N, D), jnp.float32),
                   jax.ShapeDtypeStruct((N, D), jnp.float32)),
    )(s, t, b, dinv, Wn)


def _final_body(s_ref, t_ref, b_ref, dinv_ref, batch_ref,
                wfc_ref, bfc_ref, wpr_ref, bpr_ref, out_ref):
    dinv = dinv_ref[...]
    h = (dinv * (s_ref[0, :N] + s_ref[1, :N])
         + dinv * dinv * t_ref[...] + b_ref[...])
    h = jnp.maximum(h, 0.0)
    batch = batch_ref[...]
    neg = jnp.float32(-jnp.inf)
    rows = []
    for g in range(G):
        m = jnp.where(batch == g, h, neg)
        rows.append(jnp.max(m, axis=0, keepdims=True))
    pooled = jnp.concatenate(rows, axis=0)
    pooled = jnp.where(jnp.isfinite(pooled), pooled, 0.0)
    z = jnp.tanh(jnp.dot(pooled, wfc_ref[...],
                         preferred_element_type=jnp.float32) + bfc_ref[...])
    out_ref[...] = jax.nn.sigmoid(
        jnp.dot(z, wpr_ref[...], preferred_element_type=jnp.float32)
        + bpr_ref[...])


@jax.jit
def _final_tc(s, t, b, dinv, batch2d, Wfc_p, bfc_p, Wpr_p, bpr_p):
    return pl.pallas_call(
        _final_body,
        out_shape=jax.ShapeDtypeStruct((G, 128), jnp.float32),
    )(s, t, b, dinv, batch2d, Wfc_p, bfc_p, Wpr_p, bpr_p)



@jax.jit
def kernel(x, edge_index, batch, W_enc, b_enc, W1, b1, W2, b2, W3, b3,
           W_fc, b_fc, W_pred, b_pred):
    src = edge_index[0]
    dst = edge_index[1]
    zeros128 = jnp.zeros((ZR, D), jnp.float32)
    batch2d = batch.reshape(N, 1)

    Wfc_p = jnp.zeros((D, 128), jnp.float32).at[:, :64].set(W_fc)
    bfc_p = jnp.zeros((1, 128), jnp.float32).at[0, :64].set(b_fc)
    Wpr_p = jnp.zeros((128, 128), jnp.float32).at[:64, :2].set(W_pred)
    bpr_p = jnp.zeros((1, 128), jnp.float32).at[0, :2].set(b_pred)

    deg_nw = _deg_sc(dst)
    t1 = _enc_tc(x, W_enc, b_enc.reshape(1, D), W1)
    deg_row = _degsum_tc(deg_nw)
    degcol = deg_row.reshape(NP, 1)[:N]
    dinv, tp1 = _dinv_tc(degcol, t1)

    s1 = _prop_sc(src, dst, tp1, zeros128)
    t2, tp2 = _comb_tc(s1, t1, b1.reshape(1, D), dinv, W2)
    s2 = _prop_sc(src, dst, tp2, zeros128)
    t3, tp3 = _comb_tc(s2, t2, b2.reshape(1, D), dinv, W3)
    s3 = _prop_sc(src, dst, tp3, zeros128)

    out_pad = _final_tc(s3, t3, b3.reshape(1, D), dinv, batch2d,
                        Wfc_p, bfc_p, Wpr_p, bpr_p)
    return out_pad[:, :2]

# --- scband reference (transcript-rebuilt; emitter-appended) ---
"""Pipeline reference for scband-gnn-38019050504666 (READ-ONLY COPY).

The authoritative reference and input builder live on the scoring server;
editing this copy changes nothing except your own understanding.
"""

import jax, jax.numpy as jnp
import numpy as np

N = 10000
E = 320000
D = 128
G = 8

def _lin_w(k, fan_in, fan_out):
    return (jax.random.normal(k, (fan_in, fan_out), dtype=jnp.float32) / np.sqrt(fan_in)).astype(jnp.float32)

def setup_inputs(seed: int = 0):
    key = jax.random.key(seed)
    ks = jax.random.split(key, 16)
    x = jax.random.normal(ks[0], (N, D), dtype=jnp.float32)
    edge_index = jax.random.randint(ks[1], (2, E), 0, N, dtype=jnp.int32)
    batch = jnp.sort(jax.random.randint(ks[2], (N,), 0, G, dtype=jnp.int32))
    return {
        'x': x,
        'edge_index': edge_index,
        'batch': batch,
        'W_enc': _lin_w(ks[3], D, 128), 'b_enc': jnp.zeros((128,), jnp.float32),
        'W1': _lin_w(ks[4], 128, 128), 'b1': jnp.zeros((128,), jnp.float32),
        'W2': _lin_w(ks[5], 128, 128), 'b2': jnp.zeros((128,), jnp.float32),
        'W3': _lin_w(ks[6], 128, 128), 'b3': jnp.zeros((128,), jnp.float32),
        'W_fc': _lin_w(ks[7], 128, 64), 'b_fc': jnp.zeros((64,), jnp.float32),
        'W_pred': _lin_w(ks[8], 64, 2), 'b_pred': jnp.zeros((2,), jnp.float32),
    }

def _gcn_conv(x, edge_index, W, b):
    # PyG GCNConv: add self-loops, symmetric degree normalization, linear-then-propagate
    n = x.shape[0]
    loop = jnp.arange(n, dtype=edge_index.dtype)
    src = jnp.concatenate([edge_index[0], loop])
    dst = jnp.concatenate([edge_index[1], loop])
    h = x @ W
    deg = jax.ops.segment_sum(jnp.ones_like(dst, dtype=h.dtype), dst, num_segments=n)
    dinv = jnp.where(deg > 0, jax.lax.rsqrt(jnp.maximum(deg, 1e-12)), 0.0)
    norm = dinv[src] * dinv[dst]
    msgs = h[src] * norm[:, None]
    out = jax.ops.segment_sum(msgs, dst, num_segments=n)
    return out + b

def reference(x, edge_index, batch, W_enc, b_enc, W1, b1, W2, b2, W3, b3, W_fc, b_fc, W_pred, b_pred):
    # input encoder: Linear + ELU
    h = jax.nn.elu(x @ W_enc + b_enc)
    # 3 GCNConv layers with ReLU (dropout p=0 is identity)
    h = jax.nn.relu(_gcn_conv(h, edge_index, W1, b1))
    h = jax.nn.relu(_gcn_conv(h, edge_index, W2, b2))
    h = jax.nn.relu(_gcn_conv(h, edge_index, W3, b3))
    # global max pool per graph
    pooled = jax.ops.segment_max(h, batch, num_segments=G)
    pooled = jnp.where(jnp.isfinite(pooled), pooled, 0.0)
    # fc layer + tanh
    z = jnp.tanh(pooled @ W_fc + b_fc)
    # prediction + sigmoid (sex_prediction task)
    out = jax.nn.sigmoid(z @ W_pred + b_pred)
    return out

if __name__ == "__main__":
    import jax
    _d = setup_inputs()
    print(jax.jit(kernel)(*tuple(_d.values())))

</pallas_src>

<mosaic_0001>
#map = affine_map<(d0, d1) -> (0)>
#map1 = affine_map<(d0, d1) -> (0, 0)>
module attributes {stable_mosaic.version = 14 : i64} {
  func.func @_deg_body(%arg0: i32, %arg1: i32, %arg2: memref<320000xi32, #tpu.memory_space<hbm>>, %arg3: memref<32x10240xf32, #tpu.memory_space<hbm>>, %arg4: memref<10000xi32, #tpu.memory_space<vmem>>, %arg5: memref<10240xf32, #tpu.memory_space<vmem>>) attributes {dimension_semantics = [#tpu.dimension_semantics<core_parallel>, #tpu.dimension_semantics<subcore_parallel>], iteration_bounds = array<i64: 2, 16>, scalar_prefetch = 0 : i64, scratch_operands = 2 : i64, tpu.core_type = #tpu.core_type<sc_vector_subcore>, window_params = [{transform_indices = #map}, {transform_indices = #map1}]} {
    %mul3A = arith.constant 2 : i32
    %mul3A_0 = arith.muli %arg1, %mul3A : i32
    %add3A = arith.addi %mul3A_0, %arg0 : i32
    %scan3A = arith.constant 0 : i32
    %scan3A_1 = arith.constant 640 : i32
    %scan3A_2 = arith.addi %scan3A, %scan3A_1 : i32
    %scan3A_3 = arith.constant 1 : i32
    scf.for %scan3A_13 = %scan3A to %scan3A_2 step %scan3A_3  : i32 {
      %mul3A_14 = arith.constant 1 : i32
      %mul3A_15 = arith.muli %scan3A_13, %mul3A_14 : i32
      %add3A_16 = arith.constant 0 : i32
      %add3A_17 = arith.addi %add3A_16, %mul3A_15 : i32
      %broadcast_in_dim3A_18 = arith.constant 0.000000e+00 : f32
      %broadcast_in_dim3A_19 = vector.broadcast %broadcast_in_dim3A_18 : f32 to vector<16xf32>
      %mul3A_20 = arith.constant 16 : i32
      %mul3A_21 = arith.muli %add3A_17, %mul3A_20 : i32
      %swap3A = arith.index_cast %mul3A_21 : i32 to index
      %swap3A_22 = tpu.vector_load %arg5[%swap3A] {strides = array<i32>} : memref<10240xf32, #tpu.memory_space<vmem>>, vector<16xf32>,
      tpu.vector_store %arg5[%swap3A], %broadcast_in_dim3A_19 {strides = array<i32>} : memref<10240xf32, #tpu.memory_space<vmem>>, vector<16xf32>,
    }
    %scan3A_4 = arith.constant 640 : i32
    %mul3A_5 = arith.constant 10000 : i32
    %mul3A_6 = arith.muli %add3A, %mul3A_5 : i32
    "tpu.region"() ({
      %run_scoped3A = tpu.sem_alloc : memref<!tpu.dma_semaphore, #tpu.memory_space<semaphore_mem>>
      %dma_start3A = tpu.memref_slice %arg2[%mul3A_6] : memref<320000xi32, #tpu.memory_space<hbm>> -> memref<10000xi32, #tpu.memory_space<hbm>>
      %dma_start3A_13 = tpu.memref_slice %arg2[%mul3A_6] : memref<320000xi32, #tpu.memory_space<hbm>> -> memref<10000xi32, #tpu.memory_space<hbm>>
      tpu.enqueue_dma source(%dma_start3A_13 : memref<10000xi32, #tpu.memory_space<hbm>>) target(%arg4 : memref<10000xi32, #tpu.memory_space<vmem>>) target_semaphore(%run_scoped3A : memref<!tpu.dma_semaphore, #tpu.memory_space<semaphore_mem>>)
      %dma_wait3A = tpu.memref_slice %arg2[%mul3A_6] : memref<320000xi32, #tpu.memory_space<hbm>> -> memref<10000xi32, #tpu.memory_space<hbm>>
      %dma_wait3A_14 = tpu.memref_slice %arg2[%mul3A_6] : memref<320000xi32, #tpu.memory_space<hbm>> -> memref<10000xi32, #tpu.memory_space<hbm>>
      tpu.wait_dma2 semaphore(%run_scoped3A : memref<!tpu.dma_semaphore, #tpu.memory_space<semaphore_mem>>) src(%dma_wait3A_14 : memref<10000xi32, #tpu.memory_space<hbm>>) dst(%arg4 : memref<10000xi32, #tpu.memory_space<vmem>>)
      tpu.yield
    }) : () -> ()
    %broadcast_in_dim3A = arith.constant 1.000000e+00 : f32
    %broadcast_in_dim3A_7 = vector.broadcast %broadcast_in_dim3A : f32 to vector<16xf32>
    %scan3A_8 = arith.constant 0 : i32
    %scan3A_9 = arith.constant 625 : i32
    %scan3A_10 = arith.addi %scan3A_8, %scan3A_9 : i32
    %scan3A_11 = arith.constant 1 : i32
    scf.for %scan3A_13 = %scan3A_8 to %scan3A_10 step %scan3A_11  : i32 {
      %mul3A_14 = arith.constant 1 : i32
      %mul3A_15 = arith.muli %scan3A_13, %mul3A_14 : i32
      %add3A_16 = arith.constant 0 : i32
      %add3A_17 = arith.addi %add3A_16, %mul3A_15 : i32
      %mul3A_18 = arith.constant 16 : i32
      %mul3A_19 = arith.muli %add3A_17, %mul3A_18 : i32
      %get3A = arith.index_cast %mul3A_19 : i32 to index
      %get3A_20 = tpu.vector_load %arg4[%get3A] {strides = array<i32>} : memref<10000xi32, #tpu.memory_space<vmem>>, vector<16xi32>,
      tpu.vector_store_idx %arg5[%get3A_20], %broadcast_in_dim3A_7 {add = true} : memref<10240xf32, #tpu.memory_space<vmem>>[vector<16xi32>], vector<16xf32>,
    }
    %scan3A_12 = arith.constant 625 : i32
    "tpu.region"() ({
      %run_scoped3A = tpu.sem_alloc : memref<!tpu.dma_semaphore, #tpu.memory_space<semaphore_mem>>
      %dma_start3A = arith.constant 0 : i32
      %dma_start3A_13 = tpu.memref_slice %arg3[%add3A, %dma_start3A] : memref<32x10240xf32, #tpu.memory_space<hbm>> -> memref<1x10240xf32, #tpu.memory_space<hbm>>
      %dma_start3A_14 = tpu.memref_squeeze %dma_start3A_13 : memref<1x10240xf32, #tpu.memory_space<hbm>> -> memref<10240xf32, #tpu.memory_space<hbm>>
      %dma_start3A_15 = arith.constant 0 : i32
      %dma_start3A_16 = tpu.memref_slice %arg3[%add3A, %dma_start3A_15] : memref<32x10240xf32, #tpu.memory_space<hbm>> -> memref<1x10240xf32, #tpu.memory_space<hbm>>
      %dma_start3A_17 = tpu.memref_squeeze %dma_start3A_16 : memref<1x10240xf32, #tpu.memory_space<hbm>> -> memref<10240xf32, #tpu.memory_space<hbm>>
      tpu.enqueue_dma source(%arg5 : memref<10240xf32, #tpu.memory_space<vmem>>) target(%dma_start3A_17 : memref<10240xf32, #tpu.memory_space<hbm>>) target_semaphore(%run_scoped3A : memref<!tpu.dma_semaphore, #tpu.memory_space<semaphore_mem>>)
      %dma_wait3A = arith.constant 0 : i32
      %dma_wait3A_18 = tpu.memref_slice %arg3[%add3A, %dma_wait3A] : memref<32x10240xf32, #tpu.memory_space<hbm>> -> memref<1x10240xf32, #tpu.memory_space<hbm>>
      %dma_wait3A_19 = tpu.memref_squeeze %dma_wait3A_18 : memref<1x10240xf32, #tpu.memory_space<hbm>> -> memref<10240xf32, #tpu.memory_space<hbm>>
      %dma_wait3A_20 = arith.constant 0 : i32
      %dma_wait3A_21 = tpu.memref_slice %arg3[%add3A, %dma_wait3A_20] : memref<32x10240xf32, #tpu.memory_space<hbm>> -> memref<1x10240xf32, #tpu.memory_space<hbm>>
      %dma_wait3A_22 = tpu.memref_squeeze %dma_wait3A_21 : memref<1x10240xf32, #tpu.memory_space<hbm>> -> memref<10240xf32, #tpu.memory_space<hbm>>
      tpu.wait_dma2 semaphore(%run_scoped3A : memref<!tpu.dma_semaphore, #tpu.memory_space<semaphore_mem>>) src(%arg5 : memref<10240xf32, #tpu.memory_space<vmem>>) dst(%dma_wait3A_22 : memref<10240xf32, #tpu.memory_space<hbm>>)
      tpu.yield
    }) : () -> ()
    return
  }
}

</mosaic_0001>

<sc_bundles>
// kernel: _deg_sc.3.cloned.1.call-start
scs
__scs_entry_jumppad:
0x0: {  	(pc) =	sbr.rel $0x88, $3  }
0x1: {  	(tag) =	ssettag $0x0;
	lr =	simm.s32 $0x1  }
0x2: {  	[smem:$0x3FA0] =	sst lr;
	_ =	strace $0xD0000000  }
0x3: {  	_ = 	snop  }
0x4: {  	_ = 	snop  }
0x5: {  	_ = 	snop  }
0x6: {  	_ = 	snop  }
0x7: {  	_ = 	snop  }
__scs_overlays_trampoline_lowered:
0x8: {  	[smem:$0x3FAF] =	sst s0  }
0x9: {  	[smem:$0x3FB0] =	sst s1  }
0xa: {  	[smem:$0x3FB1] =	sst s2  }
0xb: {  	[smem:$0x3FB2] =	sst s3  }
0xc: {  	[smem:$0x3FB3] =	sst s4  }
0xd: {  	[smem:$0x3FB4] =	sst s5  }
0xe: {  	[smem:$0x3FB5] =	sst s6  }
0xf: {  	[smem:$0x3FB6] =	sst s7  }
0x10: {  	[smem:$0x3FB7] =	sst s8  }
0x11: {  	[smem:$0x3FB8] =	sst s9;
	s0 =	simm.s32 @!p0 $0x0  }
0x12: {  	s1 =	sld [smem:$0x3F9E];
	s0 =	simm.s32 @p0 $0x1  }
0x13: {  	[smem:$0x3FB9] =	sst s0;
	s0 =	simm.s32 @!p1 $0x0  }
0x14: {  	s2 =	sld [smem:$0x3F9D];
	s0 =	simm.s32 @p1 $0x1  }
0x15: {  	[smem:$0x3FBA] =	sst s0;
	s0 =	simm.s32 @!p2 $0x0  }
0x16: {  	s3 =	sld [smem:$0x3FDB];
	s0 =	simm.s32 @p2 $0x1  }
0x17: {  	s4 =	simm.s32 $0x1BF5;
	[smem:$0x3FBC] =	sst s0  }
0x18: {  	s0 =	sld [smem:$0x3F9F];
	_ =	swait.ge [sflag:s4], $0x0  }
0x19: {  	s7 =	sld [smem:$0x3FA0]  }
0x1a: {  	s8 =	sadd.s32 $0xFFFFE003, lr  }
0x1b: {  	s9 =	sadd.s32 $0xFFFFFEF7, lr;
	s5 =	simm.s32 $0xFFFFFFFF;
	p2 =	slt.u32 s8, $0xFFFFF086  }
0x1c: {  	p1 =	slt.u32 s9, $0xF7A;
	s5 =	simm.s32 @!p2 $0x0  }
0x1d: {  	s5 =	simm.s32 @p1 $0x1;
	p0 =	seq.s32 s7, s2  }
0x1e: {  	s7 =	smul.u32 @!p0 $0xF7A, s2;
	p2 =	seq.s32 @!p0 s5, $0x0  }
0x1f: {  	s9 =	smul.u32 $0xF7A, s1;
	s8 =	simm.s32 @!p0 $0x1BF5;
	p2 =	por !p2, p0  }
0x20: {  	[sflag:s8] =	ssyncset.s32 @!p0 $0xFFFFF086;
	s6 =	sadd.s32 @!p0 s3, s7;
	s7 =	simm.s32 @!p0 $0x108  }
0x21: {  	s3 =	sadd.s32 s3, s9;
	s6 =	sadd.s32 @!p0 $0x88, s6;
	s7 =	simm.s32 @p2 $0x1082  }
0x22: {  	[simem:s7], [sflag:s8] =	dma.local @!p0 [hbm:s6], $0xF7A  }
0x23: {  	s9 =	sor.u32 $0xD0000000, s2;
	s6 =	simm.s32 $0x108;
	_ =	swait.ge @!p0 [sflag:s8], $0x0  }
0x24: {  	s3 =	sadd.s32 $0x88, s3;
	s6 =	simm.s32 @!p1 $0x1082;
	[sflag:s4] =	ssyncset.s32 $0xFFFFF086  }
0x25: {  	[simem:s6], [sflag:s4] =	dma.local [hbm:s3], $0xF7A  }
0x26: {  	[smem:$0x3FA0] =	sst s1;
	(tag) =	ssettag s2;
	_ =	strace s9  }
0x27: {  	s1 =	sld [smem:$0x3FB0]  }
0x28: {  	s2 =	sld [smem:$0x3FB1]  }
0x29: {  	s4 =	sld [smem:$0x3FB3]  }
0x2a: {  	p0 =	seq.s32 s5, $0x0;
	s5 =	sld [smem:$0x3FB4]  }
0x2b: {  	s6 =	sld [smem:$0x3FB5]  }
0x2c: {  	s7 =	sld [smem:$0x3FB6]  }
0x2d: {  	s3 =	simm.s32 $0x108;
	s8 =	sld [smem:$0x3FB7]  }
0x2e: {  	s3 =	simm.s32 @!p0 $0x1082;
	s9 =	sld [smem:$0x3FB8]  }
0x2f: {  	lr =	sadd.s32 s0, s3;
	s0 =	sld [smem:$0x3FAF]  }
0x30: {  	s3 =	sld [smem:$0x3FB2]  }
0x31: {  	[smem:$0x3FBB] =	sst s10  }
0x32: {  	s10 =	sld [smem:$0x3FB9];
	_ =	sdelay $0x3  }
0x33: {  	p0 =	seq.s32 s10, $0x1;
	s10 =	sld [smem:$0x3FBB];
	_ =	sdelay $0x3  }
0x34: {  	[smem:$0x3FBB] =	sst s10  }
0x35: {  	s10 =	sld [smem:$0x3FBA];
	_ =	sdelay $0x3  }
0x36: {  	p1 =	seq.s32 s10, $0x1;
	s10 =	sld [smem:$0x3FBB];
	_ =	sdelay $0x3  }
0x37: {  	[smem:$0x3FBB] =	sst s10  }
0x38: {  	s10 =	sld [smem:$0x3FBC]  }
0x39: {  	_ = 	snop;
	(pc) =	sbr.ind lr, $3  }
0x3a: {  	_ = 	snop  }
0x3b: {  	_ = 	snop  }
0x3c: {  	p2 =	seq.s32 s10, $0x1;
	s10 =	sld [smem:$0x3FBB]  }
0x3d: {  	_ =	shalt  }
0x3e: {  	_ =	shalt  }
0x3f: {  	_ =	shalt  }
0x40: {  	_ =	shalt  }
0x41: {  	_ =	shalt  }
0x42: {  	_ =	shalt  }
0x43: {  	_ =	shalt  }
0x44: {  	_ =	shalt  }
0x45: {  	_ =	shalt  }
0x46: {  	_ =	shalt  }
0x47: {  	_ =	shalt  }
0x48: {  	_ =	shalt  }
0x49: {  	_ =	shalt  }
0x4a: {  	_ =	shalt  }
0x4b: {  	_ =	shalt  }
0x4c: {  	_ =	shalt  }
0x4d: {  	_ =	shalt  }
0x4e: {  	_ =	shalt  }
0x4f: {  	_ =	shalt  }
0x50: {  	_ =	shalt  }
0x51: {  	_ =	shalt  }
0x52: {  	_ =	shalt  }
0x53: {  	_ =	shalt  }
0x54: {  	_ =	shalt  }
0x55: {  	_ =	shalt  }
0x56: {  	_ =	shalt  }
0x57: {  	_ =	shalt  }
0x58: {  	_ =	shalt  }
0x59: {  	_ =	shalt  }
0x5a: {  	_ =	shalt  }
0x5b: {  	_ =	shalt  }
0x5c: {  	_ =	shalt  }
0x5d: {  	_ =	shalt  }
0x5e: {  	_ =	shalt  }
0x5f: {  	_ =	shalt  }
0x60: {  	_ =	shalt  }
0x61: {  	_ =	shalt  }
0x62: {  	_ =	shalt  }
0x63: {  	_ =	shalt  }
0x64: {  	_ =	shalt  }
0x65: {  	_ =	shalt  }
0x66: {  	_ =	shalt  }
0x67: {  	_ =	shalt  }
0x68: {  	_ =	shalt  }
0x69: {  	_ =	shalt  }
0x6a: {  	_ =	shalt  }
0x6b: {  	_ =	shalt  }
0x6c: {  	_ =	shalt  }
0x6d: {  	_ =	shalt  }
0x6e: {  	_ =	shalt  }
0x6f: {  	_ =	shalt  }
0x70: {  	_ =	shalt  }
0x71: {  	_ =	shalt  }
0x72: {  	_ =	shalt  }
0x73: {  	_ =	shalt  }
0x74: {  	_ =	shalt  }
0x75: {  	_ =	shalt  }
0x76: {  	_ =	shalt  }
0x77: {  	_ =	shalt  }
0x78: {  	_ =	shalt  }
0x79: {  	_ =	shalt  }
0x7a: {  	_ =	shalt  }
0x7b: {  	_ =	shalt  }
0x7c: {  	_ =	shalt  }
0x7d: {  	_ =	shalt  }
0x7e: {  	_ =	shalt  }
0x7f: {  	_ =	shalt  }
0x80: {  	_ =	shalt  }
0x81: {  	_ =	shalt  }
0x82: {  	_ =	shalt  }
0x83: {  	_ =	shalt  }
0x84: {  	_ =	shalt  }
0x85: {  	_ =	shalt  }
0x86: {  	_ =	shalt  }
0x87: {  	_ =	shalt  }
.Lfunc_end0:
.L_simem_size_0:
called_computation_lowered:
.L_overlay_start_0:
0x88: {  	s2 =	sld [smem:$0x3FD9]  }
0x89: {  	s3 =	sld [smem:$0x3FFE];
	_ =	sdelay $0x1  }
0x8a: {  	s1 =	srdreg.scid  }
0x8b: {  	s0 =	sand.u32 $0x1, s1  }
0x8c: {  	s18 =	sshll.u32 s0, $0xA;
	s2 =	sadd.s32 s3, s2  }
0x8d: {  	s2 =	sadd.s32 s2, s18  }
0x8e: {  	[smem:$0x3FC7] =	sst s2  }
0x8f: {  	_ = 	snop  }
0x90: {  	s2 =	sld [smem:$0x3FC9]  }
0x91: {  	s19 =	sld [smem:$0x3FD0];
	(tm) =	ssettm $0x1  }
0x92: {  	s4 =	sld [smem:$0x3FFB];
	_ =	sdelay $0x3  }
0x93: {  	_ =	strace s4  }
0x94: {  	s4 =	sld [smem:$0x3FFC];
	_ =	sdelay $0x3  }
0x95: {  	_ =	strace s4  }
0x96: {  	s4 =	sld [smem:$0x3FFD];
	_ =	sdelay $0x3  }
0x97: {  	_ =	strace s4  }
0x98: {  	_ =	strace $0x8FFFFFFF  }
0x99: {  	s20 =	sld [smem:$0x3FDB];
	_ =	sdelay $0x1  }
0x9a: {  	s5 =	simm.s32 $_scs_section_size  }
0x9b: {  	s6 =	simm.s32 $_size__tile_overlayer_lowered;
	s7 =	simm.s32 $_tile_overlayer_lowered  }
0x9c: {  	s23 =	simm.s32 $0x1BFF;
	s22 =	sshll.u32 s7, $0x1;
	s4 =	sadd.s32 s5, s20  }
0x9d: {  	s8 =	simm.s32 $0x0;
	s21 =	sshll.u32 s6, $0x1;
	s6 =	sadd.s32 s22, s4  }
0x9e: {  	[timem:s8], [sflag:s23] =	dma.local [hbm:s6], s21  }
0x9f: {  	_ =	swait.ge [sflag:s23], s21  }
0xa0: {  	s5 =	ssub.s32 $0x0, s21;
	[sflag:s23] =	ssyncset.done $0x0  }
0xa1: {  	[sflag:s23] =	ssyncadd.s32 s5;
	_ =	sdelay $0x1  }
0xa2: {  	s24 =	simm.s32 $0x1B8B  }
0xa3: {  	_ =	swait.ge [sflag:s24], $0x1  }
0xa4: {  	[sflag:s24] =	ssyncset.done $0x0  }
0xa5: {  	s25 =	simm.s32 $0x1B8E;
	[sflag:s24] =	ssyncadd.s32 $0xFFFFFFFF  }
0xa6: {  	s26 =	simm.s32 $execute0_lowered;
	[smem:$0x3FD2] =	sst s25  }
0xa7: {  	s5 =	sshll.u32 s26, $0x1;
	_ =	strace $0x80000046;
	[dreg:$0x1] =	wrdreg $0xFFFFFFFF  }
0xa8: {  	s28 =	simm.s32 $_size_execute0_lowered;
	s4 =	sadd.s32 s4, s5;
	[dreg:$0x0] =	wrdreg $0x0  }
0xa9: {  	s5 =	sshll.u32 s28, $0x1;
	[dreg:$0x2] =	wrdreg s4  }
0xaa: {  	[dreg:$0x3] =	wrdreg s5  }
0xab: {  	[dreg:$0x4] =	wrdreg $0xC0  }
0xac: {  	_ =	task [dreg:s8], $0x5FFFF  }
0xad: {  	[dreg:$0x1] =	wrdreg $0xFFFFFFFF  }
0xae: {  	[dreg:$0x0] =	wrdreg $0x60  }
0xaf: {  	[dreg:$0x2] =	wrdreg s2  }
0xb0: {  	[dreg:$0x3] =	wrdreg s19  }
0xb1: {  	[dreg:$0x4] =	wrdreg $0x9  }
0xb2: {  	_ =	task.clear_ibuf [dreg:s8], $0x5FFFF;
	_ =	strace $0x90000046  }
0xb3: {  	s29 =	simm.s32 $0x9;
	_ =	strace $0x80000048  }
0xb4: {  	_ =	swait.ge [sflag:s29], $0x1  }
0xb5: {  	[sflag:s29] =	ssyncadd.s32 $0xFFFFFFFF  }
0xb6: {  	_ =	strace $0x90000048  }
0xb7: {  	_ =	sfence  }
0xb8: {  	s30 =	sld [smem:$0x0];
	_ =	sdelay $0x2  }
0xb9: {  	s31 =	sshll.u32 s1, $0xD;
	s1 =	sshrl.u32 s1, $0x2  }
0xba: {  	s3 =	sand.u32 $0x4000, s31;
	s1 =	sadd.s32 s1, s30  }
0xbb: {  	s0 =	sor.u32 s3, s0;
	s1 =	sshll.u32 s1, $0x11  }
0xbc: {  	s0 =	sor.u32 s1, s0  }
0xbd: {  	s0 =	sadd.s32 $0x8F2B, s0  }
0xbe: {  	[sflag:s0] =	ssyncadd.remote.s32 $0x1  }
0xbf: {  	_ =	sfence.sel $0xFFFF  }
0xc0: {  	[dreg:$0x0] =	wrdreg $0xFFFFFFFF;
	(pc) =	sbr.abs _section_cstart, $3  }
0xc1: {  	[dreg:$0x1] =	wrdreg $0xFFFFFFFF  }
0xc2: {  	_ =	task.clear_ibuf [dreg:s8], $0x2FFFF;
	_ =	strace $0x9FFFFFFF  }
0xc3: {  	(tm) =	ssettm $0x7FFFFFFF  }
tec
execute0_lowered:
.L_overlay_start_1:
0x0: {  	(tag) =	ssettag $0x1  }
0x1: {  	s3 =	rddreg [dreg:$0x0]  }
0x2: {  	s4 =	rddreg [dreg:$0x1]  }
0x3: {  	s2 =	srdreg.scid;
	s1 =	stileid.u32  }
0x4: {  	s0 =	rddreg [dreg:$0x2];
	s5 =	sand.u32 $0x1, s2;
	s6 =	sshll.u32 s1, $0x1  }
0x5: {  	s2 =	simm.s32 $0x0;
	s7 =	sshrl.u32 s1, $0x2;
	s6 =	sor.u32 s5, s6  }
0x6: {  	[smem:$0x7FF] =	sst s2;
	s7 =	smul.u32 $0x14000, s7;
	s5 =	ssub.s32 $0x2, s5  }
0x7: {  	s8 =	sshll.u32 s6, $0x7;
	s6 =	smul.u32 $0x4E2, s6;
	s9 =	sshrl.u32 s5, $0x1  }
0x8: {  	_ =	strace $0x80000047;
	s8 =	sand.u32 $0x380, s8;
	s5 =	ssub.s32 s5, s9  }
0x9: {  	s9 =	simm.s32 $0x400;
	s7 =	sor.u32 s7, s8;
	s3 =	sadd.s32 s3, s6  }
0xa: {  	s5 =	smax.u32 s5, $0x1;
	s6 =	simm.s32 $0x1;
	s31 =	sshrl.u32 s7, $0x3  }
0xb: {  	v0 =	vimm.f32 $0.0e+00;
	v1 =	vimm.f32 $1.000000000e+00;
	s8 =	simm.s32 $0x80;
	s7 =	simm.s32 $0x2780;
	s4 =	sadd.s32 s4, s31  }
.LBB2_1:
0xc: {  	s10 =	simm.s32 $0x40;
	s11 =	simm.s32 $0x0  }
.LBB2_2:
0xd: {  	p0 =	sne.s32 s10, $0x9FC0;
	[tilespmem:s11+$0x2780] =	vst v0;
	s11 =	smov.u32 s10;
	s10 =	sadd.s32 $0x40, s10  }
.Ltmp0:
0xe: {  	(pc) =	sbr.rel @p0 .LBB2_2-.Ltmp0, $2  }
0xf: {  	_ =	sdelay $0x2  }
0x10: {  	s11 =	sshra.s32 s11, $0x2  }
0x11: {  	[tilespmem:s11+$0x2780] =	vst v0;
	s10 =	simm.s32 $0x0  }
0x12: {  	[tilespmem:s10], [sflag:$0x1] =	stream.linear.gather [hbm4b:s3+s10], $0x2710, $0x38;
	[tilespmem:$0x4F80] =	vst v63  }
0x13: {  	_ =	swait.ge [sflag:s6], $0x2710  }
0x14: {  	[sflag:s6] =	ssyncset.done $0x0  }
0x15: {  	s11 =	simm.s32 $0x0;
	s10 =	simm.s32 $0x40;
	[sflag:s6] =	ssyncadd.s32 $0xFFFFD8F0  }
.LBB2_4:
0x16: {  	p0 =	sne.s32 s10, $0x9C00;
	v2 =	vld [tilespmem:s11+$0x0];
	_ =	sdelay $0x3  }
.Ltmp1:
0x17: {  	(pc) =	sbr.rel @p0 .LBB2_4-.Ltmp1, $2  }
0x18: {  	_ =	sdelay $0x2  }
0x19: {  	s11 =	sshra.s32 s10, $0x2;
	s10 =	sadd.s32 $0x40, s10;
	[tilespmem:v2+s7+$0x0] =	vst.idx.add.f32.msk $0xffff, v1  }
0x1a: {  	v2 =	vld [tilespmem:s11+$0x0];
	_ =	sdelay $0x5  }
0x1b: {  	s2 =	sadd.s32 $0x1, s2  }
0x1c: {  	p0 =	sne.s32 s2, s5  }
.Ltmp2:
0x1d: {  	[tilespmem:v2+s7+$0x0] =	vst.idx.add.f32.msk $0xffff, v1;
	(pc) =	sbr.rel @p0 .LBB2_1-.Ltmp2, $4  }
0x1e: {  	[hbm4b:s4+s8] =	stream.strided.scatter [tilespmem:s7], [sflag:$0x1], $0x2800, s9, s8, $0x38;
	[tilespmem:$0x4F80] =	vst v63  }
0x1f: {  	_ =	swait.ge [sflag:s6], $0x2800  }
0x20: {  	[sflag:s6] =	ssyncset.done $0x0  }
0x21: {  	[sflag:s6] =	ssyncadd.s32 $0xFFFFD800  }
0x22: {  	_ =	sfence.sel $0x180000  }
0x23: {  	[bflag:$0x0] =	sbarrier.arrive $0xFFFF  }
0x24: {  	p0 =	sne.s32 s1, $0x0;
	_ =	strace $0x90000047  }
0x25: {  	s0 =	sadd.s32 @!p0 $0x100000, s0;
	[bflag:$0x2] =	sbarrier.arrive $0xFFFF  }
0x26: {  	[sflag:s0] =	ssyncadd.tile.s32 @!p0 $0x1;
	_ =	shalt  }
.Lfunc_end2:
_tile_overlayer_lowered:
.L_overlay_start_2:
0x27: {  	(tag) =	ssettag $0x2  }
0x28: {  	s0 =	rddreg [dreg:$0x0];
	s2 =	stileid.u32  }
0x29: {  	s1 =	rddreg [dreg:$0x1];
	p0 =	sne.s32 s2, $0x0  }
0x2a: {  	s3 =	rddreg [dreg:$0x2];
	[bflag:$0x3] =	sbarrier.arrive $0xFFFF;
	s2 =	simm.s32 @!p0 $0x1C01  }
0x2b: {  	[timem:s3], [sflag:s2] =	dma.local @!p0 [hbm:s0], s1  }
0x2c: {  	s0 =	simm.s32 @!p0 $0x1  }
0x2d: {  	_ =	swait.ge @!p0 [sflag:s0], s1  }
0x2e: {  	s1 =	ssub.s32 @!p0 $0x0, s1;
	[sflag:s0] =	ssyncset.done @!p0 $0x0  }
0x2f: {  	[sflag:s0] =	ssyncadd.s32 @!p0 s1  }
0x30: {  	[bflag:$0x3] =	sbarrier.arrive $0xFFFF  }
0x31: {  	_ =	shalt  }

</sc_bundles>
